<compile_context>
chip_gen: v7x
topology: tpu7x:2x2x1
jax: 0.10.2.dev20260603
libtpu: 0.0.44.dev20260713+nightly
codegen_flags: <defaults>
</compile_context>

<pallas_src>
import functools

import jax
import jax.numpy as jnp
from jax import lax
from jax.experimental import pallas as pl
from jax.experimental.pallas import tpu as pltpu
from jax.experimental.pallas import tpu_sc as plsc

N_CODE = 1024
DIM = 64
TOK = 1024
NB = 16
GB = 4
T = GB * TOK
NTOK = NB * TOK


def _argmin_body(z_ref, w_ref, idx_ref, loss_ref):
    b = pl.program_id(0)
    w = w_ref[...]
    zt = jnp.concatenate([z_ref[k].T for k in range(GB)], axis=0)
    zn = jnp.sum(zt * zt, axis=1, keepdims=True)
    wn = jnp.sum(w * w, axis=1)
    mm2 = jax.lax.dot_general(zt + zt, w, (((1,), (1,)), ((), ())),
                              preferred_element_type=jnp.float32)
    dist = (zn + wn) - mm2
    m = jnp.min(dist, axis=1, keepdims=True)
    iota_j = jax.lax.broadcasted_iota(jnp.int32, dist.shape, 1)
    idx = jnp.min(jnp.where(dist == m, iota_j, N_CODE), axis=1)
    for k in range(GB):
        idx_ref[k, 0, :] = idx[k * TOK:(k + 1) * TOK]
    part = jnp.sum(m, axis=(0, 1), keepdims=True)

    @pl.when(b == 0)
    def _init():
        loss_ref[...] = jnp.zeros((1, 1), jnp.float32)

    loss_ref[...] += part

    @pl.when(b == NB // GB - 1)
    def _fin():
        loss_ref[...] = loss_ref[...] / (NB * TOK * DIM)


_SC_INFO = plsc.get_sparse_core_info()
_NC = _SC_INFO.num_cores
_NS = _SC_INFO.num_subcores
_NW = _NC * _NS
_B_PER_W = NTOK // _NW


def _sc_gather(idx_flat, W128):
    mesh = plsc.VectorSubcoreMesh(core_axis_name="c", subcore_axis_name="s")

    @functools.partial(
        pl.kernel, mesh=mesh,
        out_type=jax.ShapeDtypeStruct((NTOK, 2 * DIM), jnp.float32),
        scratch_types=[
            pltpu.VMEM((_B_PER_W,), jnp.int32),
            pltpu.VMEM((_B_PER_W, 2 * DIM), jnp.float32),
            pltpu.SemaphoreType.DMA,
        ],
    )
    def k(idx_hbm, table_hbm, out_hbm, idx_v, rows_v, sem):
        wid = lax.axis_index("s") * _NC + lax.axis_index("c")
        base = wid * _B_PER_W
        pltpu.sync_copy(idx_hbm.at[pl.ds(base, _B_PER_W)], idx_v)
        pltpu.async_copy(table_hbm.at[idx_v], rows_v, sem).wait()
        pltpu.sync_copy(rows_v, out_hbm.at[pl.ds(base, _B_PER_W)])

    return k(idx_flat, W128)


def _tr_body(rows_ref, out_ref):
    for k in range(GB):
        out_ref[k] = rows_ref[0, k * TOK:(k + 1) * TOK, :DIM].T


def kernel(z, W):
    B, C, H, Wd = z.shape
    z3 = z.reshape(B, C, H * Wd)
    idx3, loss = pl.pallas_call(
        _argmin_body,
        grid=(B // GB,),
        in_specs=[
            pl.BlockSpec((GB, C, H * Wd), lambda b: (b, 0, 0)),
            pl.BlockSpec((N_CODE, DIM), lambda b: (0, 0)),
        ],
        out_specs=[
            pl.BlockSpec((GB, 1, H * Wd), lambda b: (b, 0, 0)),
            pl.BlockSpec((1, 1), lambda b: (0, 0)),
        ],
        out_shape=[
            jax.ShapeDtypeStruct((B, 1, H * Wd), jnp.int32),
            jax.ShapeDtypeStruct((1, 1), jnp.float32),
        ],
    )(z3, W)
    idx_flat = idx3.reshape(NTOK)
    W128 = jnp.pad(W, ((0, 0), (0, 2 * DIM - DIM)))
    rows = _sc_gather(idx_flat, W128)
    rows3 = rows.reshape(1, NTOK, 2 * DIM)
    zq3 = pl.pallas_call(
        _tr_body,
        grid=(B // GB,),
        in_specs=[pl.BlockSpec((1, T, 2 * DIM), lambda b: (0, b, 0))],
        out_specs=pl.BlockSpec((GB, DIM, H * Wd), lambda b: (b, 0, 0)),
        out_shape=jax.ShapeDtypeStruct((B, DIM, H * Wd), jnp.float32),
    )(rows3)
    z_q = zq3.reshape(B, C, H, Wd)
    codebook_loss = loss.reshape(())
    commitment_loss = 0.25 * codebook_loss
    min_encoding_indices = idx3.reshape(B, H, Wd)
    return (z_q, codebook_loss, commitment_loss, min_encoding_indices)

# --- scband reference (transcript-rebuilt; emitter-appended) ---
"""Pipeline reference for scband-vector-quantizer-36833639530977 (READ-ONLY COPY).

The authoritative reference and input builder live on the scoring server;
editing this copy changes nothing except your own understanding.
"""

import jax, jax.numpy as jnp
import numpy as np

N_EMBED = 1024
EMBED_DIM = 64
COMMITMENT_COST = 0.25


def setup_inputs(seed: int = 0) -> dict:
    key = jax.random.key(seed)
    k1, k2 = jax.random.split(key)
    z = jax.random.normal(k1, (16, 64, 32, 32), dtype=jnp.float32)
    W = jax.random.uniform(k2, (N_EMBED, EMBED_DIM), dtype=jnp.float32,
                           minval=-1.0 / N_EMBED, maxval=1.0 / N_EMBED)
    return {"z": z, "W": W}


def reference(z, W):
    B, C, H, Wd = z.shape
    z_permuted = jnp.transpose(z, (0, 2, 3, 1))
    z_reshaped = z_permuted.reshape(-1, EMBED_DIM)
    distances = (jnp.sum(z_reshaped ** 2, axis=1, keepdims=True)
                 + jnp.sum(W ** 2, axis=1)
                 - 2.0 * jnp.matmul(z_reshaped, W.T))
    min_encoding_indices = jnp.argmin(distances, axis=1)
    z_q_permuted = jnp.take(W, min_encoding_indices, axis=0).reshape(z_permuted.shape)
    codebook_loss = jnp.mean((z_q_permuted - jax.lax.stop_gradient(z_permuted)) ** 2)
    commitment_loss = COMMITMENT_COST * jnp.mean((z_permuted - jax.lax.stop_gradient(z_q_permuted)) ** 2)
    z_q_ste = z_permuted + jax.lax.stop_gradient(z_q_permuted - z_permuted)
    z_q = jnp.transpose(z_q_ste, (0, 3, 1, 2))
    min_encoding_indices = min_encoding_indices.reshape(B, H, Wd)
    return (z_q, codebook_loss, commitment_loss, min_encoding_indices)

if __name__ == "__main__":
    import jax
    _d = setup_inputs()
    print(jax.jit(kernel)(*tuple(_d.values())))

</pallas_src>

<mosaic_0001>
#map = affine_map<(d0, d1) -> (0)>
#map1 = affine_map<(d0, d1) -> (0, 0)>
module attributes {stable_mosaic.version = 14 : i64} {
  func.func @k(%arg0: i32, %arg1: i32, %arg2: memref<16384xi32, #tpu.memory_space<hbm>>, %arg3: memref<1024x128xf32, #tpu.memory_space<hbm>>, %arg4: memref<16384x128xf32, #tpu.memory_space<hbm>>, %arg5: memref<512xi32, #tpu.memory_space<vmem>>, %arg6: memref<512x128xf32, #tpu.memory_space<vmem>>, %arg7: memref<!tpu.dma_semaphore, #tpu.memory_space<semaphore_mem>>) attributes {dimension_semantics = [#tpu.dimension_semantics<core_parallel>, #tpu.dimension_semantics<subcore_parallel>], iteration_bounds = array<i64: 2, 16>, scalar_prefetch = 0 : i64, scratch_operands = 3 : i64, tpu.core_type = #tpu.core_type<sc_vector_subcore>, window_params = [{transform_indices = #map}, {transform_indices = #map1}, {transform_indices = #map1}]} {
    %mul3A = arith.constant 2 : i32
    %mul3A_0 = arith.muli %arg1, %mul3A : i32
    %add3A = arith.addi %mul3A_0, %arg0 : i32
    %mul3A_1 = arith.constant 512 : i32
    %mul3A_2 = arith.muli %add3A, %mul3A_1 : i32
    "tpu.region"() ({
      %run_scoped3A = tpu.sem_alloc : memref<!tpu.dma_semaphore, #tpu.memory_space<semaphore_mem>>
      %dma_start3A_7 = tpu.memref_slice %arg2[%mul3A_2] : memref<16384xi32, #tpu.memory_space<hbm>> -> memref<512xi32, #tpu.memory_space<hbm>>
      %dma_start3A_8 = tpu.memref_slice %arg2[%mul3A_2] : memref<16384xi32, #tpu.memory_space<hbm>> -> memref<512xi32, #tpu.memory_space<hbm>>
      tpu.enqueue_dma source(%dma_start3A_8 : memref<512xi32, #tpu.memory_space<hbm>>) target(%arg5 : memref<512xi32, #tpu.memory_space<vmem>>) target_semaphore(%run_scoped3A : memref<!tpu.dma_semaphore, #tpu.memory_space<semaphore_mem>>)
      %dma_wait3A_9 = tpu.memref_slice %arg2[%mul3A_2] : memref<16384xi32, #tpu.memory_space<hbm>> -> memref<512xi32, #tpu.memory_space<hbm>>
      %dma_wait3A_10 = tpu.memref_slice %arg2[%mul3A_2] : memref<16384xi32, #tpu.memory_space<hbm>> -> memref<512xi32, #tpu.memory_space<hbm>>
      tpu.wait_dma2 semaphore(%run_scoped3A : memref<!tpu.dma_semaphore, #tpu.memory_space<semaphore_mem>>) src(%dma_wait3A_10 : memref<512xi32, #tpu.memory_space<hbm>>) dst(%arg5 : memref<512xi32, #tpu.memory_space<vmem>>)
      tpu.yield
    }) : () -> ()
    %dma_start3A = arith.constant 0 : i32
    %dma_start3A_3 = arith.constant 0 : i32
    %dma_start3A_4 = tpu.memref_slice %arg3[%dma_start3A, %dma_start3A_3] : memref<1024x128xf32, #tpu.memory_space<hbm>> -> memref<1024x128xf32, #tpu.memory_space<hbm>>
    tpu.enqueue_indirect_dma source(%dma_start3A_4 : memref<1024x128xf32, #tpu.memory_space<hbm>>) target(%arg6 : memref<512x128xf32, #tpu.memory_space<vmem>>) offsets(%arg5 : memref<512xi32, #tpu.memory_space<vmem>>) semaphore(%arg7 : memref<!tpu.dma_semaphore, #tpu.memory_space<semaphore_mem>>)
    %dma_wait3A = arith.constant 0 : i32
    %dma_wait3A_5 = arith.constant 0 : i32
    %dma_wait3A_6 = tpu.memref_slice %arg3[%dma_wait3A, %dma_wait3A_5] : memref<1024x128xf32, #tpu.memory_space<hbm>> -> memref<1024x128xf32, #tpu.memory_space<hbm>>
    tpu.wait_indirect_dma semaphore(%arg7 : memref<!tpu.dma_semaphore, #tpu.memory_space<semaphore_mem>>) src(%dma_wait3A_6 : memref<1024x128xf32, #tpu.memory_space<hbm>>) dst(%arg6 : memref<512x128xf32, #tpu.memory_space<vmem>>)
    "tpu.region"() ({
      %run_scoped3A = tpu.sem_alloc : memref<!tpu.dma_semaphore, #tpu.memory_space<semaphore_mem>>
      %dma_start3A_7 = arith.constant 0 : i32
      %dma_start3A_8 = tpu.memref_slice %arg4[%mul3A_2, %dma_start3A_7] : memref<16384x128xf32, #tpu.memory_space<hbm>> -> memref<512x128xf32, #tpu.memory_space<hbm>>
      %dma_start3A_9 = arith.constant 0 : i32
      %dma_start3A_10 = tpu.memref_slice %arg4[%mul3A_2, %dma_start3A_9] : memref<16384x128xf32, #tpu.memory_space<hbm>> -> memref<512x128xf32, #tpu.memory_space<hbm>>
      tpu.enqueue_dma source(%arg6 : memref<512x128xf32, #tpu.memory_space<vmem>>) target(%dma_start3A_10 : memref<512x128xf32, #tpu.memory_space<hbm>>) target_semaphore(%run_scoped3A : memref<!tpu.dma_semaphore, #tpu.memory_space<semaphore_mem>>)
      %dma_wait3A_11 = arith.constant 0 : i32
      %dma_wait3A_12 = tpu.memref_slice %arg4[%mul3A_2, %dma_wait3A_11] : memref<16384x128xf32, #tpu.memory_space<hbm>> -> memref<512x128xf32, #tpu.memory_space<hbm>>
      %dma_wait3A_13 = arith.constant 0 : i32
      %dma_wait3A_14 = tpu.memref_slice %arg4[%mul3A_2, %dma_wait3A_13] : memref<16384x128xf32, #tpu.memory_space<hbm>> -> memref<512x128xf32, #tpu.memory_space<hbm>>
      tpu.wait_dma2 semaphore(%run_scoped3A : memref<!tpu.dma_semaphore, #tpu.memory_space<semaphore_mem>>) src(%arg6 : memref<512x128xf32, #tpu.memory_space<vmem>>) dst(%dma_wait3A_14 : memref<512x128xf32, #tpu.memory_space<hbm>>)
      tpu.yield
    }) : () -> ()
    return
  }
}

module attributes {stable_mosaic.version = 14 : i64} {
  func.func @_argmin_body(%arg0: i32, %arg1: memref<4x64x1024xf32, #tpu.memory_space<vmem>>, %arg2: memref<1024x64xf32, #tpu.memory_space<vmem>>, %arg3: memref<4x1x1024xi32, #tpu.memory_space<vmem>>, %arg4: memref<1x1xf32, #tpu.memory_space<vmem>>) attributes {dimension_semantics = [#tpu.dimension_semantics<arbitrary>], iteration_bounds = array<i64: 4>, scalar_prefetch = 0 : i64, scratch_operands = 0 : i64, tpu.core_type = #tpu.core_type<tc>, window_params = [{transform_indices = @transform_0, window_bounds = array<i64: 4, 64, 1024>}, {pipeline_mode = #tpu.pipeline_mode<synchronous>, transform_indices = @transform_1, window_bounds = array<i64: 1024, 64>}, {transform_indices = @transform_2, window_bounds = array<i64: 4, 1, 1024>}, {pipeline_mode = #tpu.pipeline_mode<synchronous>, transform_indices = @transform_3, window_bounds = array<i64: 1, 1>}]} {
    %get3A = arith.constant 0 : index
    %get3A_0 = arith.constant 0 : index
    %get3A_1 = vector.load %arg2[%get3A, %get3A_0] : memref<1024x64xf32, #tpu.memory_space<vmem>>, vector<1024x64xf32>
    %get3A_2 = arith.constant 0 : index
    %get3A_3 = arith.constant 0 : index
    %get3A_4 = arith.constant 0 : index
    %get3A_5 = vector.load %arg1[%get3A_2, %get3A_3, %get3A_4] : memref<4x64x1024xf32, #tpu.memory_space<vmem>>, vector<1x64x1024xf32>
    %get3A_6 = vector.shape_cast %get3A_5 : vector<1x64x1024xf32> to vector<64x1024xf32>
    %transpose3A = tpu.transpose %get3A_6, [1, 0] : vector<64x1024xf32> -> vector<1024x64xf32>
    %get3A_7 = arith.constant 1 : index
    %get3A_8 = arith.constant 0 : index
    %get3A_9 = arith.constant 0 : index
    %get3A_10 = vector.load %arg1[%get3A_7, %get3A_8, %get3A_9] : memref<4x64x1024xf32, #tpu.memory_space<vmem>>, vector<1x64x1024xf32>
    %get3A_11 = vector.shape_cast %get3A_10 : vector<1x64x1024xf32> to vector<64x1024xf32>
    %transpose3A_12 = tpu.transpose %get3A_11, [1, 0] : vector<64x1024xf32> -> vector<1024x64xf32>
    %get3A_13 = arith.constant 2 : index
    %get3A_14 = arith.constant 0 : index
    %get3A_15 = arith.constant 0 : index
    %get3A_16 = vector.load %arg1[%get3A_13, %get3A_14, %get3A_15] : memref<4x64x1024xf32, #tpu.memory_space<vmem>>, vector<1x64x1024xf32>
    %get3A_17 = vector.shape_cast %get3A_16 : vector<1x64x1024xf32> to vector<64x1024xf32>
    %transpose3A_18 = tpu.transpose %get3A_17, [1, 0] : vector<64x1024xf32> -> vector<1024x64xf32>
    %get3A_19 = arith.constant 3 : index
    %get3A_20 = arith.constant 0 : index
    %get3A_21 = arith.constant 0 : index
    %get3A_22 = vector.load %arg1[%get3A_19, %get3A_20, %get3A_21] : memref<4x64x1024xf32, #tpu.memory_space<vmem>>, vector<1x64x1024xf32>
    %get3A_23 = vector.shape_cast %get3A_22 : vector<1x64x1024xf32> to vector<64x1024xf32>
    %transpose3A_24 = tpu.transpose %get3A_23, [1, 0] : vector<64x1024xf32> -> vector<1024x64xf32>
    %concatenate3A = tpu.concatenate %transpose3A, %transpose3A_12, %transpose3A_18, %transpose3A_24 in 0 : vector<1024x64xf32>, vector<1024x64xf32>, vector<1024x64xf32>, vector<1024x64xf32> -> vector<4096x64xf32>
    %mul3A = arith.mulf %concatenate3A, %concatenate3A : vector<4096x64xf32>
    %reduce_sum3A = arith.constant dense<0.000000e+00> : vector<4096xf32>
    %reduce_sum3A_25 = vector.multi_reduction <add>, %mul3A, %reduce_sum3A [1] : vector<4096x64xf32> to vector<4096xf32>
    %broadcast_in_dim3A = vector.shape_cast %reduce_sum3A_25 : vector<4096xf32> to vector<4096x1xf32>
    %mul3A_26 = arith.mulf %get3A_1, %get3A_1 : vector<1024x64xf32>
    %reduce_sum3A_27 = arith.constant dense<0.000000e+00> : vector<1024xf32>
    %reduce_sum3A_28 = vector.multi_reduction <add>, %mul3A_26, %reduce_sum3A_27 [1] : vector<1024x64xf32> to vector<1024xf32>
    %add3A = arith.addf %concatenate3A, %concatenate3A : vector<4096x64xf32>
    %dot_general3A = arith.constant dense<0.000000e+00> : vector<4096x1024xf32>
    %dot_general3A_29 = tpu.matmul %add3A, %get3A_1, %dot_general3A {dimension_numbers = #tpu.dot_dimension_numbers<[1], [1], [0], [0], [0, 0, 1, 0], [], []>, transpose_lhs_hint = false} : vector<4096x64xf32>, vector<1024x64xf32>, vector<4096x1024xf32> -> vector<4096x1024xf32>
    %broadcast_in_dim3A_30 = vector.shape_cast %reduce_sum3A_28 : vector<1024xf32> to vector<1x1024xf32>
    %add3A_31 = vector.broadcast %broadcast_in_dim3A : vector<4096x1xf32> to vector<4096x1024xf32>
    %add3A_32 = vector.broadcast %broadcast_in_dim3A_30 : vector<1x1024xf32> to vector<4096x1024xf32>
    %add3A_33 = arith.addf %add3A_31, %add3A_32 : vector<4096x1024xf32>
    %sub3A = arith.subf %add3A_33, %dot_general3A_29 : vector<4096x1024xf32>
    %reduce_min3A = arith.constant dense<0x7F800000> : vector<4096xf32>
    %reduce_min3A_34 = vector.multi_reduction <minimumf>, %sub3A, %reduce_min3A [1] : vector<4096x1024xf32> to vector<4096xf32>
    %broadcast_in_dim3A_35 = vector.shape_cast %reduce_min3A_34 : vector<4096xf32> to vector<4096x1xf32>
    %iota3A = tpu.iota {dimensions = array<i32: 1>} : vector<4096x1024xi32>
    %eq3A = vector.broadcast %broadcast_in_dim3A_35 : vector<4096x1xf32> to vector<4096x1024xf32>
    %eq3A_36 = arith.cmpf oeq, %sub3A, %eq3A : vector<4096x1024xf32>
    %jit3A = arith.constant 1024 : i32
    %broadcast_in_dim3A_37 = vector.broadcast %jit3A : i32 to vector<4096x1024xi32>
    %select_n3A = arith.select %eq3A_36, %iota3A, %broadcast_in_dim3A_37 : vector<4096x1024xi1>, vector<4096x1024xi32>
    %reduce_min3A_38 = arith.constant dense<2147483647> : vector<4096xi32>
    %reduce_min3A_39 = vector.multi_reduction <minsi>, %select_n3A, %reduce_min3A_38 [1] : vector<4096x1024xi32> to vector<4096xi32>
    %slice3A = vector.extract_strided_slice %reduce_min3A_39 {offsets = [0], sizes = [1024], strides = [1]} : vector<4096xi32> to vector<1024xi32>
    %swap3A = arith.constant 0 : index
    %swap3A_40 = arith.constant 0 : index
    %swap3A_41 = arith.constant 0 : index
    %swap3A_42 = vector.load %arg3[%swap3A, %swap3A_40, %swap3A_41] : memref<4x1x1024xi32, #tpu.memory_space<vmem>>, vector<1x1x1024xi32>
    %swap3A_43 = vector.shape_cast %swap3A_42 : vector<1x1x1024xi32> to vector<1024xi32>
    %swap3A_44 = vector.shape_cast %slice3A : vector<1024xi32> to vector<1x1x1024xi32>
    tpu.vector_store %arg3[%swap3A, %swap3A_40, %swap3A_41], %swap3A_44 {strides = array<i32>} : memref<4x1x1024xi32, #tpu.memory_space<vmem>>, vector<1x1x1024xi32>,
    %slice3A_45 = vector.extract_strided_slice %reduce_min3A_39 {offsets = [1024], sizes = [1024], strides = [1]} : vector<4096xi32> to vector<1024xi32>
    %swap3A_46 = arith.constant 1 : index
    %swap3A_47 = arith.constant 0 : index
    %swap3A_48 = arith.constant 0 : index
    %swap3A_49 = vector.load %arg3[%swap3A_46, %swap3A_47, %swap3A_48] : memref<4x1x1024xi32, #tpu.memory_space<vmem>>, vector<1x1x1024xi32>
    %swap3A_50 = vector.shape_cast %swap3A_49 : vector<1x1x1024xi32> to vector<1024xi32>
    %swap3A_51 = vector.shape_cast %slice3A_45 : vector<1024xi32> to vector<1x1x1024xi32>
    tpu.vector_store %arg3[%swap3A_46, %swap3A_47, %swap3A_48], %swap3A_51 {strides = array<i32>} : memref<4x1x1024xi32, #tpu.memory_space<vmem>>, vector<1x1x1024xi32>,
    %slice3A_52 = vector.extract_strided_slice %reduce_min3A_39 {offsets = [2048], sizes = [1024], strides = [1]} : vector<4096xi32> to vector<1024xi32>
    %swap3A_53 = arith.constant 2 : index
    %swap3A_54 = arith.constant 0 : index
    %swap3A_55 = arith.constant 0 : index
    %swap3A_56 = vector.load %arg3[%swap3A_53, %swap3A_54, %swap3A_55] : memref<4x1x1024xi32, #tpu.memory_space<vmem>>, vector<1x1x1024xi32>
    %swap3A_57 = vector.shape_cast %swap3A_56 : vector<1x1x1024xi32> to vector<1024xi32>
    %swap3A_58 = vector.shape_cast %slice3A_52 : vector<1024xi32> to vector<1x1x1024xi32>
    tpu.vector_store %arg3[%swap3A_53, %swap3A_54, %swap3A_55], %swap3A_58 {strides = array<i32>} : memref<4x1x1024xi32, #tpu.memory_space<vmem>>, vector<1x1x1024xi32>,
    %slice3A_59 = vector.extract_strided_slice %reduce_min3A_39 {offsets = [3072], sizes = [1024], strides = [1]} : vector<4096xi32> to vector<1024xi32>
    %swap3A_60 = arith.constant 3 : index
    %swap3A_61 = arith.constant 0 : index
    %swap3A_62 = arith.constant 0 : index
    %swap3A_63 = vector.load %arg3[%swap3A_60, %swap3A_61, %swap3A_62] : memref<4x1x1024xi32, #tpu.memory_space<vmem>>, vector<1x1x1024xi32>
    %swap3A_64 = vector.shape_cast %swap3A_63 : vector<1x1x1024xi32> to vector<1024xi32>
    %swap3A_65 = vector.shape_cast %slice3A_59 : vector<1024xi32> to vector<1x1x1024xi32>
    tpu.vector_store %arg3[%swap3A_60, %swap3A_61, %swap3A_62], %swap3A_65 {strides = array<i32>} : memref<4x1x1024xi32, #tpu.memory_space<vmem>>, vector<1x1x1024xi32>,
    %reduce_sum3A_66 = vector.shape_cast %broadcast_in_dim3A_35 : vector<4096x1xf32> to vector<1x4096x1xf32>
    %reduce_sum3A_67 = arith.constant dense<0.000000e+00> : vector<1xf32>
    %reduce_sum3A_68 = vector.multi_reduction <add>, %reduce_sum3A_66, %reduce_sum3A_67 [1, 2] : vector<1x4096x1xf32> to vector<1xf32>
    %reduce_sum3A_69 = vector.shape_cast %reduce_sum3A_68 : vector<1xf32> to vector<1x1x1xf32>
    %reduce_sum3A_70 = vector.extract %reduce_sum3A_69[0, 0, 0] : f32 from vector<1x1x1xf32>
    %broadcast_in_dim3A_71 = vector.broadcast %reduce_sum3A_70 : f32 to vector<1x1xf32>
    %eq3A_72 = arith.constant 0 : i32
    %eq3A_73 = arith.cmpi eq, %arg0, %eq3A_72 : i32
    %convert_element_type3A = arith.extui %eq3A_73 : i1 to i32
    %cond3A = arith.constant 0 : i32
    %cond3A_74 = arith.cmpi ne, %convert_element_type3A, %cond3A : i32
    scf.if %cond3A_74 {
      %broadcast_in_dim3A_87 = arith.constant 0.000000e+00 : f32
      %broadcast_in_dim3A_88 = vector.broadcast %broadcast_in_dim3A_87 : f32 to vector<1x1xf32>
      %swap3A_89 = arith.constant 0 : index
      %swap3A_90 = arith.constant 0 : index
      %swap3A_91 = vector.load %arg4[%swap3A_89, %swap3A_90] : memref<1x1xf32, #tpu.memory_space<vmem>>, vector<1x1xf32>
      tpu.vector_store %arg4[%swap3A_89, %swap3A_90], %broadcast_in_dim3A_88 {strides = array<i32>} : memref<1x1xf32, #tpu.memory_space<vmem>>, vector<1x1xf32>,
    } else {
    }
    %get3A_75 = arith.constant 0 : index
    %get3A_76 = arith.constant 0 : index
    %get3A_77 = vector.load %arg4[%get3A_75, %get3A_76] : memref<1x1xf32, #tpu.memory_space<vmem>>, vector<1x1xf32>
    %add3A_78 = arith.addf %get3A_77, %broadcast_in_dim3A_71 : vector<1x1xf32>
    %swap3A_79 = arith.constant 0 : index
    %swap3A_80 = arith.constant 0 : index
    %swap3A_81 = vector.load %arg4[%swap3A_79, %swap3A_80] : memref<1x1xf32, #tpu.memory_space<vmem>>, vector<1x1xf32>
    tpu.vector_store %arg4[%swap3A_79, %swap3A_80], %add3A_78 {strides = array<i32>} : memref<1x1xf32, #tpu.memory_space<vmem>>, vector<1x1xf32>,
    %eq3A_82 = arith.constant 3 : i32
    %eq3A_83 = arith.cmpi eq, %arg0, %eq3A_82 : i32
    %convert_element_type3A_84 = arith.extui %eq3A_83 : i1 to i32
    %cond3A_85 = arith.constant 0 : i32
    %cond3A_86 = arith.cmpi ne, %convert_element_type3A_84, %cond3A_85 : i32
    scf.if %cond3A_86 {
      %get3A_87 = arith.constant 0 : index
      %get3A_88 = arith.constant 0 : index
      %get3A_89 = vector.load %arg4[%get3A_87, %get3A_88] : memref<1x1xf32, #tpu.memory_space<vmem>>, vector<1x1xf32>
      %div3A = arith.constant 0x49800000 : f32
      %div3A_90 = vector.broadcast %div3A : f32 to vector<1x1xf32>
      %div3A_91 = arith.divf %get3A_89, %div3A_90 : vector<1x1xf32>
      %swap3A_92 = arith.constant 0 : index
      %swap3A_93 = arith.constant 0 : index
      %swap3A_94 = vector.load %arg4[%swap3A_92, %swap3A_93] : memref<1x1xf32, #tpu.memory_space<vmem>>, vector<1x1xf32>
      tpu.vector_store %arg4[%swap3A_92, %swap3A_93], %div3A_91 {strides = array<i32>} : memref<1x1xf32, #tpu.memory_space<vmem>>, vector<1x1xf32>,
    } else {
    }
    return
  }
  func.func @transform_0(%arg0: i32) -> (i32, i32, i32) {
    %c0_i32 = arith.constant 0 : i32
    %c0_i32_0 = arith.constant 0 : i32
    %c0_i32_1 = arith.constant 0 : i32
    return %arg0, %c0_i32, %c0_i32_0 : i32, i32, i32
  }
  func.func @transform_1(%arg0: i32) -> (i32, i32) {
    %c0_i32 = arith.constant 0 : i32
    %c0_i32_0 = arith.constant 0 : i32
    %c0_i32_1 = arith.constant 0 : i32
    return %c0_i32, %c0_i32_0 : i32, i32
  }
  func.func @transform_2(%arg0: i32) -> (i32, i32, i32) {
    %c0_i32 = arith.constant 0 : i32
    %c0_i32_0 = arith.constant 0 : i32
    %c0_i32_1 = arith.constant 0 : i32
    return %arg0, %c0_i32, %c0_i32_0 : i32, i32, i32
  }
  func.func @transform_3(%arg0: i32) -> (i32, i32) {
    %c0_i32 = arith.constant 0 : i32
    %c0_i32_0 = arith.constant 0 : i32
    %c0_i32_1 = arith.constant 0 : i32
    return %c0_i32, %c0_i32_0 : i32, i32
  }
}

module attributes {stable_mosaic.version = 14 : i64} {
  func.func @_tr_body(%arg0: i32, %arg1: memref<1x4096x128xf32, #tpu.memory_space<vmem>>, %arg2: memref<4x64x1024xf32, #tpu.memory_space<vmem>>) attributes {dimension_semantics = [#tpu.dimension_semantics<arbitrary>], iteration_bounds = array<i64: 4>, scalar_prefetch = 0 : i64, scratch_operands = 0 : i64, tpu.core_type = #tpu.core_type<tc>, window_params = [{transform_indices = @transform_0, window_bounds = array<i64: 1, 4096, 128>}, {transform_indices = @transform_1, window_bounds = array<i64: 4, 64, 1024>}]} {
    %get3A = arith.constant 0 : index
    %get3A_0 = arith.constant 0 : index
    %get3A_1 = arith.constant 0 : index
    %get3A_2 = vector.load %arg1[%get3A, %get3A_0, %get3A_1] : memref<1x4096x128xf32, #tpu.memory_space<vmem>>, vector<1x1024x64xf32>
    %get3A_3 = vector.shape_cast %get3A_2 : vector<1x1024x64xf32> to vector<1024x64xf32>
    %transpose3A = tpu.transpose %get3A_3, [1, 0] : vector<1024x64xf32> -> vector<64x1024xf32>
    %swap3A = arith.constant 0 : index
    %swap3A_4 = arith.constant 0 : index
    %swap3A_5 = arith.constant 0 : index
    %swap3A_6 = vector.load %arg2[%swap3A, %swap3A_4, %swap3A_5] : memref<4x64x1024xf32, #tpu.memory_space<vmem>>, vector<1x64x1024xf32>
    %swap3A_7 = vector.shape_cast %swap3A_6 : vector<1x64x1024xf32> to vector<64x1024xf32>
    %swap3A_8 = vector.shape_cast %transpose3A : vector<64x1024xf32> to vector<1x64x1024xf32>
    tpu.vector_store %arg2[%swap3A, %swap3A_4, %swap3A_5], %swap3A_8 {strides = array<i32>} : memref<4x64x1024xf32, #tpu.memory_space<vmem>>, vector<1x64x1024xf32>,
    %get3A_9 = arith.constant 0 : index
    %get3A_10 = arith.constant 1024 : index
    %get3A_11 = arith.constant 0 : index
    %get3A_12 = vector.load %arg1[%get3A_9, %get3A_10, %get3A_11] : memref<1x4096x128xf32, #tpu.memory_space<vmem>>, vector<1x1024x64xf32>
    %get3A_13 = vector.shape_cast %get3A_12 : vector<1x1024x64xf32> to vector<1024x64xf32>
    %transpose3A_14 = tpu.transpose %get3A_13, [1, 0] : vector<1024x64xf32> -> vector<64x1024xf32>
    %swap3A_15 = arith.constant 1 : index
    %swap3A_16 = arith.constant 0 : index
    %swap3A_17 = arith.constant 0 : index
    %swap3A_18 = vector.load %arg2[%swap3A_15, %swap3A_16, %swap3A_17] : memref<4x64x1024xf32, #tpu.memory_space<vmem>>, vector<1x64x1024xf32>
    %swap3A_19 = vector.shape_cast %swap3A_18 : vector<1x64x1024xf32> to vector<64x1024xf32>
    %swap3A_20 = vector.shape_cast %transpose3A_14 : vector<64x1024xf32> to vector<1x64x1024xf32>
    tpu.vector_store %arg2[%swap3A_15, %swap3A_16, %swap3A_17], %swap3A_20 {strides = array<i32>} : memref<4x64x1024xf32, #tpu.memory_space<vmem>>, vector<1x64x1024xf32>,
    %get3A_21 = arith.constant 0 : index
    %get3A_22 = arith.constant 2048 : index
    %get3A_23 = arith.constant 0 : index
    %get3A_24 = vector.load %arg1[%get3A_21, %get3A_22, %get3A_23] : memref<1x4096x128xf32, #tpu.memory_space<vmem>>, vector<1x1024x64xf32>
    %get3A_25 = vector.shape_cast %get3A_24 : vector<1x1024x64xf32> to vector<1024x64xf32>
    %transpose3A_26 = tpu.transpose %get3A_25, [1, 0] : vector<1024x64xf32> -> vector<64x1024xf32>
    %swap3A_27 = arith.constant 2 : index
    %swap3A_28 = arith.constant 0 : index
    %swap3A_29 = arith.constant 0 : index
    %swap3A_30 = vector.load %arg2[%swap3A_27, %swap3A_28, %swap3A_29] : memref<4x64x1024xf32, #tpu.memory_space<vmem>>, vector<1x64x1024xf32>
    %swap3A_31 = vector.shape_cast %swap3A_30 : vector<1x64x1024xf32> to vector<64x1024xf32>
    %swap3A_32 = vector.shape_cast %transpose3A_26 : vector<64x1024xf32> to vector<1x64x1024xf32>
    tpu.vector_store %arg2[%swap3A_27, %swap3A_28, %swap3A_29], %swap3A_32 {strides = array<i32>} : memref<4x64x1024xf32, #tpu.memory_space<vmem>>, vector<1x64x1024xf32>,
    %get3A_33 = arith.constant 0 : index
    %get3A_34 = arith.constant 3072 : index
    %get3A_35 = arith.constant 0 : index
    %get3A_36 = vector.load %arg1[%get3A_33, %get3A_34, %get3A_35] : memref<1x4096x128xf32, #tpu.memory_space<vmem>>, vector<1x1024x64xf32>
    %get3A_37 = vector.shape_cast %get3A_36 : vector<1x1024x64xf32> to vector<1024x64xf32>
    %transpose3A_38 = tpu.transpose %get3A_37, [1, 0] : vector<1024x64xf32> -> vector<64x1024xf32>
    %swap3A_39 = arith.constant 3 : index
    %swap3A_40 = arith.constant 0 : index
    %swap3A_41 = arith.constant 0 : index
    %swap3A_42 = vector.load %arg2[%swap3A_39, %swap3A_40, %swap3A_41] : memref<4x64x1024xf32, #tpu.memory_space<vmem>>, vector<1x64x1024xf32>
    %swap3A_43 = vector.shape_cast %swap3A_42 : vector<1x64x1024xf32> to vector<64x1024xf32>
    %swap3A_44 = vector.shape_cast %transpose3A_38 : vector<64x1024xf32> to vector<1x64x1024xf32>
    tpu.vector_store %arg2[%swap3A_39, %swap3A_40, %swap3A_41], %swap3A_44 {strides = array<i32>} : memref<4x64x1024xf32, #tpu.memory_space<vmem>>, vector<1x64x1024xf32>,
    return
  }
  func.func @transform_0(%arg0: i32) -> (i32, i32, i32) {
    %c0_i32 = arith.constant 0 : i32
    %c0_i32_0 = arith.constant 0 : i32
    %c0_i32_1 = arith.constant 0 : i32
    return %c0_i32, %arg0, %c0_i32_0 : i32, i32, i32
  }
  func.func @transform_1(%arg0: i32) -> (i32, i32, i32) {
    %c0_i32 = arith.constant 0 : i32
    %c0_i32_0 = arith.constant 0 : i32
    %c0_i32_1 = arith.constant 0 : i32
    return %arg0, %c0_i32, %c0_i32_0 : i32, i32, i32
  }
}

</mosaic_0001>

<sc_bundles>
// kernel: kernel.5.cloned.1.call-start
scs
__scs_entry_jumppad:
0x0: {  	(pc) =	sbr.rel $0x88, $3  }
0x1: {  	(tag) =	ssettag $0x0;
	lr =	simm.s32 $0x1  }
0x2: {  	[smem:$0x3F9F] =	sst lr;
	_ =	strace $0xD0000000  }
0x3: {  	_ = 	snop  }
0x4: {  	_ = 	snop  }
0x5: {  	_ = 	snop  }
0x6: {  	_ = 	snop  }
0x7: {  	_ = 	snop  }
__scs_overlays_trampoline_lowered:
0x8: {  	[smem:$0x3FAE] =	sst s0  }
0x9: {  	[smem:$0x3FAF] =	sst s1  }
0xa: {  	[smem:$0x3FB0] =	sst s2  }
0xb: {  	[smem:$0x3FB1] =	sst s3  }
0xc: {  	[smem:$0x3FB2] =	sst s4  }
0xd: {  	[smem:$0x3FB3] =	sst s5  }
0xe: {  	[smem:$0x3FB4] =	sst s6  }
0xf: {  	[smem:$0x3FB5] =	sst s7  }
0x10: {  	[smem:$0x3FB6] =	sst s8  }
0x11: {  	[smem:$0x3FB7] =	sst s9;
	s0 =	simm.s32 @!p0 $0x0  }
0x12: {  	s1 =	sld [smem:$0x3F9D];
	s0 =	simm.s32 @p0 $0x1  }
0x13: {  	[smem:$0x3FB8] =	sst s0;
	s0 =	simm.s32 @!p1 $0x0  }
0x14: {  	s2 =	sld [smem:$0x3F9C];
	s0 =	simm.s32 @p1 $0x1  }
0x15: {  	[smem:$0x3FB9] =	sst s0;
	s0 =	simm.s32 @!p2 $0x0  }
0x16: {  	s3 =	sld [smem:$0x3FDB];
	s0 =	simm.s32 @p2 $0x1  }
0x17: {  	s4 =	simm.s32 $0x1BF5;
	[smem:$0x3FBB] =	sst s0  }
0x18: {  	s0 =	sld [smem:$0x3F9E];
	_ =	swait.ge [sflag:s4], $0x0  }
0x19: {  	s7 =	sld [smem:$0x3F9F]  }
0x1a: {  	s8 =	sadd.s32 $0xFFFFE003, lr  }
0x1b: {  	s9 =	sadd.s32 $0xFFFFFEF7, lr;
	s5 =	simm.s32 $0xFFFFFFFF;
	p2 =	slt.u32 s8, $0xFFFFF086  }
0x1c: {  	p1 =	slt.u32 s9, $0xF7A;
	s5 =	simm.s32 @!p2 $0x0  }
0x1d: {  	s5 =	simm.s32 @p1 $0x1;
	p0 =	seq.s32 s7, s2  }
0x1e: {  	s7 =	smul.u32 @!p0 $0xF7A, s2;
	p2 =	seq.s32 @!p0 s5, $0x0  }
0x1f: {  	s9 =	smul.u32 $0xF7A, s1;
	s8 =	simm.s32 @!p0 $0x1BF5;
	p2 =	por !p2, p0  }
0x20: {  	[sflag:s8] =	ssyncset.s32 @!p0 $0xFFFFF086;
	s6 =	sadd.s32 @!p0 s3, s7;
	s7 =	simm.s32 @!p0 $0x108  }
0x21: {  	s3 =	sadd.s32 s3, s9;
	s6 =	sadd.s32 @!p0 $0x88, s6;
	s7 =	simm.s32 @p2 $0x1082  }
0x22: {  	[simem:s7], [sflag:s8] =	dma.local @!p0 [hbm:s6], $0xF7A  }
0x23: {  	s9 =	sor.u32 $0xD0000000, s2;
	s6 =	simm.s32 $0x108;
	_ =	swait.ge @!p0 [sflag:s8], $0x0  }
0x24: {  	s3 =	sadd.s32 $0x88, s3;
	s6 =	simm.s32 @!p1 $0x1082;
	[sflag:s4] =	ssyncset.s32 $0xFFFFF086  }
0x25: {  	[simem:s6], [sflag:s4] =	dma.local [hbm:s3], $0xF7A  }
0x26: {  	[smem:$0x3F9F] =	sst s1;
	(tag) =	ssettag s2;
	_ =	strace s9  }
0x27: {  	s1 =	sld [smem:$0x3FAF]  }
0x28: {  	s2 =	sld [smem:$0x3FB0]  }
0x29: {  	s4 =	sld [smem:$0x3FB2]  }
0x2a: {  	p0 =	seq.s32 s5, $0x0;
	s5 =	sld [smem:$0x3FB3]  }
0x2b: {  	s6 =	sld [smem:$0x3FB4]  }
0x2c: {  	s7 =	sld [smem:$0x3FB5]  }
0x2d: {  	s3 =	simm.s32 $0x108;
	s8 =	sld [smem:$0x3FB6]  }
0x2e: {  	s3 =	simm.s32 @!p0 $0x1082;
	s9 =	sld [smem:$0x3FB7]  }
0x2f: {  	lr =	sadd.s32 s0, s3;
	s0 =	sld [smem:$0x3FAE]  }
0x30: {  	s3 =	sld [smem:$0x3FB1]  }
0x31: {  	[smem:$0x3FBA] =	sst s10  }
0x32: {  	s10 =	sld [smem:$0x3FB8];
	_ =	sdelay $0x3  }
0x33: {  	p0 =	seq.s32 s10, $0x1;
	s10 =	sld [smem:$0x3FBA];
	_ =	sdelay $0x3  }
0x34: {  	[smem:$0x3FBA] =	sst s10  }
0x35: {  	s10 =	sld [smem:$0x3FB9];
	_ =	sdelay $0x3  }
0x36: {  	p1 =	seq.s32 s10, $0x1;
	s10 =	sld [smem:$0x3FBA];
	_ =	sdelay $0x3  }
0x37: {  	[smem:$0x3FBA] =	sst s10  }
0x38: {  	s10 =	sld [smem:$0x3FBB]  }
0x39: {  	_ = 	snop;
	(pc) =	sbr.ind lr, $3  }
0x3a: {  	_ = 	snop  }
0x3b: {  	_ = 	snop  }
0x3c: {  	p2 =	seq.s32 s10, $0x1;
	s10 =	sld [smem:$0x3FBA]  }
0x3d: {  	_ =	shalt  }
0x3e: {  	_ =	shalt  }
0x3f: {  	_ =	shalt  }
0x40: {  	_ =	shalt  }
0x41: {  	_ =	shalt  }
0x42: {  	_ =	shalt  }
0x43: {  	_ =	shalt  }
0x44: {  	_ =	shalt  }
0x45: {  	_ =	shalt  }
0x46: {  	_ =	shalt  }
0x47: {  	_ =	shalt  }
0x48: {  	_ =	shalt  }
0x49: {  	_ =	shalt  }
0x4a: {  	_ =	shalt  }
0x4b: {  	_ =	shalt  }
0x4c: {  	_ =	shalt  }
0x4d: {  	_ =	shalt  }
0x4e: {  	_ =	shalt  }
0x4f: {  	_ =	shalt  }
0x50: {  	_ =	shalt  }
0x51: {  	_ =	shalt  }
0x52: {  	_ =	shalt  }
0x53: {  	_ =	shalt  }
0x54: {  	_ =	shalt  }
0x55: {  	_ =	shalt  }
0x56: {  	_ =	shalt  }
0x57: {  	_ =	shalt  }
0x58: {  	_ =	shalt  }
0x59: {  	_ =	shalt  }
0x5a: {  	_ =	shalt  }
0x5b: {  	_ =	shalt  }
0x5c: {  	_ =	shalt  }
0x5d: {  	_ =	shalt  }
0x5e: {  	_ =	shalt  }
0x5f: {  	_ =	shalt  }
0x60: {  	_ =	shalt  }
0x61: {  	_ =	shalt  }
0x62: {  	_ =	shalt  }
0x63: {  	_ =	shalt  }
0x64: {  	_ =	shalt  }
0x65: {  	_ =	shalt  }
0x66: {  	_ =	shalt  }
0x67: {  	_ =	shalt  }
0x68: {  	_ =	shalt  }
0x69: {  	_ =	shalt  }
0x6a: {  	_ =	shalt  }
0x6b: {  	_ =	shalt  }
0x6c: {  	_ =	shalt  }
0x6d: {  	_ =	shalt  }
0x6e: {  	_ =	shalt  }
0x6f: {  	_ =	shalt  }
0x70: {  	_ =	shalt  }
0x71: {  	_ =	shalt  }
0x72: {  	_ =	shalt  }
0x73: {  	_ =	shalt  }
0x74: {  	_ =	shalt  }
0x75: {  	_ =	shalt  }
0x76: {  	_ =	shalt  }
0x77: {  	_ =	shalt  }
0x78: {  	_ =	shalt  }
0x79: {  	_ =	shalt  }
0x7a: {  	_ =	shalt  }
0x7b: {  	_ =	shalt  }
0x7c: {  	_ =	shalt  }
0x7d: {  	_ =	shalt  }
0x7e: {  	_ =	shalt  }
0x7f: {  	_ =	shalt  }
0x80: {  	_ =	shalt  }
0x81: {  	_ =	shalt  }
0x82: {  	_ =	shalt  }
0x83: {  	_ =	shalt  }
0x84: {  	_ =	shalt  }
0x85: {  	_ =	shalt  }
0x86: {  	_ =	shalt  }
0x87: {  	_ =	shalt  }
.Lfunc_end0:
.L_simem_size_0:
called_computation_lowered:
.L_overlay_start_0:
0x88: {  	s2 =	sld [smem:$0x3FD9]  }
0x89: {  	s3 =	sld [smem:$0x3FFE];
	_ =	sdelay $0x1  }
0x8a: {  	s1 =	srdreg.scid  }
0x8b: {  	s0 =	sand.u32 $0x1, s1  }
0x8c: {  	s14 =	sshll.u32 s0, $0xA;
	s2 =	sadd.s32 s3, s2  }
0x8d: {  	s2 =	sadd.s32 s2, s14  }
0x8e: {  	[smem:$0x3FC6] =	sst s2  }
0x8f: {  	_ = 	snop  }
0x90: {  	s2 =	sld [smem:$0x3FD0];
	_ =	sdelay $0x2  }
0x91: {  	s15 =	simm.s32 $0xA;
	s4 =	simm.s32 $0x10  }
0x92: {  	[smem:s4], [sflag:s15] =	dma.local [hbm:s2], $0x1  }
0x93: {  	_ =	swait.eq [sflag:s15], $0x1  }
0x94: {  	[sflag:s15] =	ssyncset.done $0x0  }
0x95: {  	[sflag:s15] =	ssyncadd.s32 $0xFFFFFFFF  }
0x96: {  	s16 =	sld [smem:$0x10];
	(tm) =	ssettm $0x1  }
0x97: {  	s17 =	sld [smem:$0x3FFB];
	_ =	sdelay $0x3  }
0x98: {  	_ =	strace s17  }
0x99: {  	s3 =	sld [smem:$0x3FFC];
	_ =	sdelay $0x3  }
0x9a: {  	_ =	strace s3  }
0x9b: {  	s3 =	sld [smem:$0x3FFD];
	_ =	sdelay $0x3  }
0x9c: {  	_ =	strace s3  }
0x9d: {  	_ =	strace $0x8FFFFFFF  }
0x9e: {  	s18 =	sld [smem:$0x3FDB];
	_ =	sdelay $0x1  }
0x9f: {  	s19 =	simm.s32 $_scs_section_size  }
0xa0: {  	s5 =	simm.s32 $_size__tile_overlayer_lowered;
	s6 =	simm.s32 $_tile_overlayer_lowered  }
0xa1: {  	s22 =	simm.s32 $0x1BFF;
	s21 =	sshll.u32 s6, $0x1;
	s3 =	sadd.s32 s19, s18  }
0xa2: {  	s7 =	simm.s32 $0x0;
	s20 =	sshll.u32 s5, $0x1;
	s5 =	sadd.s32 s21, s3  }
0xa3: {  	[timem:s7], [sflag:s22] =	dma.local [hbm:s5], s20  }
0xa4: {  	_ =	swait.ge [sflag:s22], s20  }
0xa5: {  	s4 =	ssub.s32 $0x0, s20;
	[sflag:s22] =	ssyncset.done $0x0  }
0xa6: {  	[sflag:s22] =	ssyncadd.s32 s4;
	_ =	sdelay $0x1  }
0xa7: {  	s23 =	simm.s32 $0x1B8B  }
0xa8: {  	_ =	swait.ge [sflag:s23], $0x1  }
0xa9: {  	[sflag:s23] =	ssyncset.done $0x0  }
0xaa: {  	s25 =	simm.s32 $0x1B8E;
	s24 =	sld [smem:$0x3FFE];
	[sflag:s23] =	ssyncadd.s32 $0xFFFFFFFF  }
0xab: {  	s26 =	simm.s32 $execute0_lowered;
	[smem:$0x3FD2] =	sst s25  }
0xac: {  	s5 =	sshll.u32 s26, $0x1;
	_ =	strace $0x80000046;
	[dreg:$0x1] =	wrdreg $0xFFFFFFFF  }
0xad: {  	s28 =	simm.s32 $_size_execute0_lowered;
	s3 =	sadd.s32 s3, s5;
	[dreg:$0x0] =	wrdreg $0x0  }
0xae: {  	s5 =	sshll.u32 s28, $0x1;
	[dreg:$0x2] =	wrdreg s3  }
0xaf: {  	[dreg:$0x3] =	wrdreg s5  }
0xb0: {  	[dreg:$0x4] =	wrdreg $0xC0  }
0xb1: {  	_ =	task [dreg:s7], $0x5FFFF  }
0xb2: {  	[dreg:$0x1] =	wrdreg $0xFFFFFFFF  }
0xb3: {  	[dreg:$0x0] =	wrdreg $0x60  }
0xb4: {  	[dreg:$0x2] =	wrdreg s24  }
0xb5: {  	[dreg:$0x3] =	wrdreg s16  }
0xb6: {  	[dreg:$0x4] =	wrdreg $0x9  }
0xb7: {  	_ =	task.clear_ibuf [dreg:s7], $0x5FFFF;
	_ =	strace $0x90000046  }
0xb8: {  	s29 =	simm.s32 $0x9;
	_ =	strace $0x80000048  }
0xb9: {  	_ =	swait.ge [sflag:s29], $0x1  }
0xba: {  	[sflag:s29] =	ssyncadd.s32 $0xFFFFFFFF  }
0xbb: {  	_ =	strace $0x90000048  }
0xbc: {  	_ =	sfence  }
0xbd: {  	s30 =	sld [smem:$0x0];
	_ =	sdelay $0x2  }
0xbe: {  	s31 =	sshll.u32 s1, $0xD;
	s1 =	sshrl.u32 s1, $0x2  }
0xbf: {  	s3 =	sand.u32 $0x4000, s31;
	s1 =	sadd.s32 s1, s30  }
0xc0: {  	s0 =	sor.u32 s3, s0;
	s1 =	sshll.u32 s1, $0x11  }
0xc1: {  	s0 =	sor.u32 s1, s0  }
0xc2: {  	s0 =	sadd.s32 $0x8F2B, s0  }
0xc3: {  	[sflag:s0] =	ssyncadd.remote.s32 $0x1  }
0xc4: {  	_ =	sfence.sel $0xFFFF  }
0xc5: {  	[dreg:$0x0] =	wrdreg $0xFFFFFFFF;
	(pc) =	sbr.abs _section_cstart, $3  }
0xc6: {  	[dreg:$0x1] =	wrdreg $0xFFFFFFFF  }
0xc7: {  	_ =	task.clear_ibuf [dreg:s7], $0x2FFFF;
	_ =	strace $0x9FFFFFFF  }
0xc8: {  	(tm) =	ssettm $0x7FFFFFFF  }
0xc9: {  	_ =	shalt  }
tec
execute0_lowered:
.L_overlay_start_1:
0x0: {  	(tag) =	ssettag $0x1  }
0x1: {  	s1 =	srdreg.scid  }
0x2: {  	s0 =	stileid.u32;
	s6 =	sand.u32 $0x1, s1  }
0x3: {  	s5 =	rddreg [dreg:$0x0];
	s30 =	sshll.u32 s0, $0xA;
	s2 =	sshll.u32 s6, $0x9  }
0x4: {  	s8 =	rddreg [dreg:$0x1];
	s9 =	sor.u32 s2, s30  }
0x5: {  	s1 =	rddreg [dreg:$0x2];
	s2 =	simm.s32 $0x0;
	s3 =	sshrl.u32 s9, $0x3  }
0x6: {  	s10 =	ssub.s32 $0x2, s6;
	[smem:$0x7FF] =	sst s2;
	s3 =	sadd.s32 s3, s5  }
0x7: {  	_ =	strace $0x80000047;
	s4 =	sadd.s32 $0x800, s3;
	s3 =	simm.s32 $0x2  }
0x8: {  	[tilespmem:s2], [sflag:$0x2] =	stream.linear.gather [hbm4b:s4+s2], $0x200, $0x38;
	[tilespmem:$0x10200] =	vst v63  }
0x9: {  	s7 =	simm.s32 $0x1;
	s11 =	sshrl.u32 s10, $0x1;
	_ =	swait.ge [sflag:s3], $0x200  }
0xa: {  	s6 =	simm.s32 $0x200;
	s10 =	ssub.s32 s10, s11;
	[sflag:s3] =	ssyncset.done $0x0  }
0xb: {  	s5 =	sadd.s32 $0x1000, s5;
	s31 =	smax.u32 s10, $0x1;
	[sflag:s3] =	ssyncadd.s32 $0xFFFFFE00  }
0xc: {  	[tilespmem:s6], [sflag:$0x1] =	stream.indirect.gather [hbm4b:s5+s6], $0x80, s2, s6, $0xb8;
	[tilespmem:$0x10200] =	vst v63  }
0xd: {  	p0 =	sne.s32 s31, $0x1;
	_ =	swait.ge [sflag:s7], $0x10000  }
.Ltmp0:
0xe: {  	s9 =	sshll.u32 s9, $0x4;
	[sflag:s7] =	ssyncset.done $0x0;
	(pc) =	sbr.rel @!p0 .LBB2_2-.Ltmp0, $4  }
0xf: {  	s8 =	sadd.s32 s8, s9;
	[sflag:s7] =	ssyncadd.s32 $0xFFFF0000  }
0x10: {  	[hbm4b:s8+s2] =	stream.linear.scatter [tilespmem:s6], [sflag:$0x2], $0x10000, $0x38;
	[tilespmem:$0x10200] =	vst v63  }
0x11: {  	_ =	swait.ge [sflag:s3], $0x10000  }
0x12: {  	s9 =	sadd.s32 $0xFFFFFFFF, s31;
	[sflag:s3] =	ssyncset.done $0x0  }
.LBB2_1:
0x13: {  	p0 =	sne.s32 s9, $0x1;
	s9 =	sadd.s32 $0xFFFFFFFF, s9;
	[sflag:s3] =	ssyncadd.s32 $0xFFFF0000  }
0x14: {  	[tilespmem:s2], [sflag:$0x2] =	stream.linear.gather [hbm4b:s4+s2], $0x200, $0x38;
	[tilespmem:$0x10200] =	vst v63  }
0x15: {  	_ =	swait.ge [sflag:s3], $0x200  }
0x16: {  	[sflag:s3] =	ssyncset.done $0x0  }
0x17: {  	[sflag:s3] =	ssyncadd.s32 $0xFFFFFE00  }
0x18: {  	[tilespmem:s6], [sflag:$0x1] =	stream.indirect.gather [hbm4b:s5+s6], $0x80, s2, s6, $0xb8;
	[tilespmem:$0x10200] =	vst v63  }
0x19: {  	_ =	swait.ge [sflag:s7], $0x10000  }
.Ltmp1:
0x1a: {  	[sflag:s7] =	ssyncset.done $0x0;
	(pc) =	sbr.rel @p0 .LBB2_1-.Ltmp1, $4  }
0x1b: {  	[sflag:s7] =	ssyncadd.s32 $0xFFFF0000  }
0x1c: {  	[hbm4b:s8+s2] =	stream.linear.scatter [tilespmem:s6], [sflag:$0x2], $0x10000, $0x38;
	[tilespmem:$0x10200] =	vst v63  }
0x1d: {  	_ =	swait.ge [sflag:s3], $0x10000  }
0x1e: {  	[sflag:s3] =	ssyncset.done $0x0  }
.LBB2_2:
0x1f: {  	[sflag:s3] =	ssyncadd.s32 $0xFFFF0000  }
0x20: {  	_ =	sfence.sel $0x180000  }
0x21: {  	[bflag:$0x0] =	sbarrier.arrive $0xFFFF  }
0x22: {  	p0 =	sne.s32 s0, $0x0;
	_ =	strace $0x90000047  }
0x23: {  	s0 =	sadd.s32 @!p0 $0x100000, s1;
	[bflag:$0x2] =	sbarrier.arrive $0xFFFF  }
0x24: {  	[sflag:s0] =	ssyncadd.tile.s32 @!p0 $0x1;
	_ =	shalt  }
.Lfunc_end2:
_tile_overlayer_lowered:
.L_overlay_start_2:
0x25: {  	(tag) =	ssettag $0x2  }
0x26: {  	s0 =	rddreg [dreg:$0x0];
	s2 =	stileid.u32  }
0x27: {  	s1 =	rddreg [dreg:$0x1];
	p0 =	sne.s32 s2, $0x0  }
0x28: {  	s3 =	rddreg [dreg:$0x2];
	[bflag:$0x3] =	sbarrier.arrive $0xFFFF;
	s2 =	simm.s32 @!p0 $0x1C02  }
0x29: {  	[timem:s3], [sflag:s2] =	dma.local @!p0 [hbm:s0], s1  }
0x2a: {  	s0 =	simm.s32 @!p0 $0x2  }
0x2b: {  	_ =	swait.ge @!p0 [sflag:s0], s1  }
0x2c: {  	s1 =	ssub.s32 @!p0 $0x0, s1;
	[sflag:s0] =	ssyncset.done @!p0 $0x0  }
0x2d: {  	[sflag:s0] =	ssyncadd.s32 @!p0 s1  }
0x2e: {  	[bflag:$0x3] =	sbarrier.arrive $0xFFFF  }
0x2f: {  	_ =	shalt  }

</sc_bundles>
